<compile_context>
chip_gen: v7x
topology: tpu7x:2x2x1
jax: 0.10.2.dev20260603
libtpu: 0.0.44.dev20260713+nightly
codegen_flags: <defaults>
</compile_context>

<pallas_src>
import functools

import jax
import jax.numpy as jnp
from jax import lax
from jax.experimental import pallas as pl
from jax.experimental.pallas import tpu as pltpu
from jax.experimental.pallas import tpu_sc as plsc

N = 43648
C = 16
K = 436
R = 341
L = 128

NR_BIG = 1368
NR_SMALL = N - 31 * NR_BIG
NG = NR_BIG // 16 + 1


def _sc_rowmax_body(cls_hbm, m_hbm, cls_v, m_v):
    nc = 2
    wid = lax.axis_index("s") * nc + lax.axis_index("c")
    base = wid * NR_BIG
    is_small = wid == 31
    nr = jnp.where(is_small, NR_SMALL, NR_BIG)

    @pl.when(jnp.logical_not(is_small))
    def _():
        pltpu.sync_copy(cls_hbm.at[pl.ds(base, NR_BIG)], cls_v)

    @pl.when(is_small)
    def _():
        pltpu.sync_copy(cls_hbm.at[pl.ds(base, NR_SMALL)],
                        cls_v.at[pl.ds(0, NR_SMALL)])

    lane = lax.iota(jnp.int32, 16)
    last = nr - 1

    def group(g, carry):
        rows = jnp.minimum(g * 16 + lane, last)
        m = plsc.load_gather(cls_v, [rows, lane])
        for j in range(1, C):
            cols = lax.rem(lane + j, jnp.int32(C))
            m = jnp.maximum(m, plsc.load_gather(cls_v, [rows, cols]))
        plsc.store_scatter(m_v, [rows], m)
        return carry

    lax.fori_loop(0, NG, group, jnp.int32(0))

    @pl.when(jnp.logical_not(is_small))
    def _():
        pltpu.sync_copy(m_v, m_hbm.at[pl.ds(base, NR_BIG)])

    @pl.when(is_small)
    def _():
        pltpu.sync_copy(m_v.at[pl.ds(0, NR_SMALL)],
                        m_hbm.at[pl.ds(base, NR_SMALL)])


_sc_rowmax = functools.partial(
    pl.kernel,
    mesh=plsc.VectorSubcoreMesh(core_axis_name="c", subcore_axis_name="s"),
    out_type=jax.ShapeDtypeStruct((N,), jnp.float32),
    scratch_types=[
        pltpu.VMEM((NR_BIG, C), jnp.float32),
        pltpu.VMEM((NR_BIG,), jnp.float32),
    ],
    compiler_params=pltpu.CompilerParams(
        needs_layout_passes=False, use_tc_tiling_on_sc=False),
)(_sc_rowmax_body)


def _tc_body(m_ref, cent_ref, pos_ref, neg_ref, w_ref, fg_ref, sdps_ref):
    m = m_ref[...]
    scores = jax.nn.sigmoid(m)
    cent = cent_ref[...]
    w_ref[...] = jax.nn.sigmoid(cent) * scores
    sdps_ref[0, 0] = jnp.sum(scores) * (1.0 / N)

    bits = jax.lax.bitcast_convert_type(scores, jnp.int32)
    nbits = jnp.int32(0x3F800000) - bits
    row = jax.lax.broadcasted_iota(jnp.int32, (R, L), 0)
    col = jax.lax.broadcasted_iota(jnp.int32, (R, L), 1)
    key2 = (N - 1) - (row * L + col)

    one = jnp.int32(1)
    hi = jnp.int32(1 << 16)
    zero = jnp.int32(0)

    def packed_count(mp, mn):
        s = jnp.sum(jnp.where(mp, one, zero) + jnp.where(mn, hi, zero))
        return s & jnp.int32(0xFFFF), jax.lax.shift_right_logical(s, 16)

    def vstep(i, carry):
        tp, tn = carry
        bit = jnp.left_shift(one, 29 - i)
        cp = tp | bit
        cn = tn | bit
        cntp, cntn = packed_count(bits >= cp, nbits >= cn)
        return (jnp.where(cntp >= K, cp, tp), jnp.where(cntn >= K, cn, tn))

    tp, tn = jax.lax.fori_loop(0, 30, vstep, (zero, zero))
    tied_p = bits == tp
    tied_n = nbits == tn
    gt_p = bits > tp
    gt_n = nbits > tn
    cgtp, cgtn = packed_count(gt_p, gt_n)
    ctp, ctn = packed_count(tied_p, tied_n)
    need_p = K - cgtp
    need_n = K - cgtn

    def no_ties():
        return zero, zero

    def with_ties():
        def tstep(i, carry):
            jp, jn = carry
            bit = jnp.left_shift(one, 15 - i)
            cp = jp | bit
            cn = jn | bit
            cntp, cntn = packed_count(tied_p & (key2 >= cp),
                                      tied_n & (key2 >= cn))
            return (jnp.where(cntp >= need_p, cp, jp),
                    jnp.where(cntn >= need_n, cn, jn))
        return jax.lax.fori_loop(0, 16, tstep, (zero, zero))

    jp, jn = jax.lax.cond(
        (ctp == need_p) & (ctn == need_n), no_ties, with_ties)
    pos_sel = gt_p | (tied_p & (key2 >= jp))
    neg_sel = gt_n | (tied_n & (key2 >= jn))
    fg_ref[0, 0] = jnp.sum(jnp.where(pos_sel, scores, 0.0))
    pos_ref[...] = pos_sel & jnp.logical_not(neg_sel)
    neg_ref[...] = neg_sel


def kernel(t_cls_scores, t_bbox_preds, t_centernesses):
    del t_bbox_preds
    m = _sc_rowmax(t_cls_scores)
    cent = t_centernesses.reshape(R, L)
    pos, neg, w, fg, sdps = pl.pallas_call(
        _tc_body,
        out_shape=[
            jax.ShapeDtypeStruct((R, L), jnp.bool_),
            jax.ShapeDtypeStruct((R, L), jnp.bool_),
            jax.ShapeDtypeStruct((R, L), jnp.float32),
            jax.ShapeDtypeStruct((1, 1), jnp.float32),
            jax.ShapeDtypeStruct((1, 1), jnp.float32),
        ],
        out_specs=[
            pl.BlockSpec(memory_space=pltpu.VMEM),
            pl.BlockSpec(memory_space=pltpu.VMEM),
            pl.BlockSpec(memory_space=pltpu.VMEM),
            pl.BlockSpec(memory_space=pltpu.SMEM),
            pl.BlockSpec(memory_space=pltpu.SMEM),
        ],
    )(m.reshape(R, L), cent)
    return (
        pos.reshape(N),
        neg.reshape(N),
        w.reshape(N),
        fg[0, 0],
        sdps[0, 0],
    )

# --- scband reference (transcript-rebuilt; emitter-appended) ---
"""Pipeline reference for scband-rotated-dtblorcnnhead-loss-5291399709079 (READ-ONLY COPY).

The authoritative reference and input builder live on the scoring server;
editing this copy changes nothing except your own understanding.
"""

import jax, jax.numpy as jnp
import numpy as np

N = 43648
C = 16
RATIO = 0.01

def setup_inputs(seed: int = 0) -> dict:
    key = jax.random.key(seed)
    k1, k2, k3 = jax.random.split(key, 3)
    t_cls_scores = jax.random.normal(k1, (N, C), dtype=jnp.float32)
    t_bbox_preds = jax.random.normal(k2, (N, 5), dtype=jnp.float32)
    t_centernesses = jax.random.normal(k3, (N, 1), dtype=jnp.float32)
    return {"t_cls_scores": t_cls_scores, "t_bbox_preds": t_bbox_preds, "t_centernesses": t_centernesses}

def reference(t_cls_scores, t_bbox_preds, t_centernesses):
    # Faithful translation of RotatedDTBLORCNNHeadLoss.pseudoLabelSelection with mode='topk'
    teacher_probs = jax.nn.sigmoid(t_cls_scores)
    t_scores = jnp.max(teacher_probs, axis=1)
    t_pred = jnp.argmax(teacher_probs, axis=1)
    t_joint_scores = jax.nn.sigmoid(t_centernesses).reshape(-1) * t_scores
    S_dps = jnp.mean(t_scores)
    weight_mask = t_joint_scores
    n = t_cls_scores.shape[0]
    topk_num = max(int(n * RATIO), 2)
    # torch.topk(t_scores, N) == full descending sort; largest=False == ascending sort
    pos_sorted_vals, pos_sorted_inds = jax.lax.top_k(t_scores, n)
    neg_vals, neg_sorted_inds = jax.lax.top_k(-t_scores, n)
    mask = jnp.zeros_like(t_scores)
    mask = mask.at[pos_sorted_inds[:topk_num]].set(1.0)
    mask = mask.at[neg_sorted_inds[:topk_num]].set(-1.0)
    fg_num = jnp.sum(pos_sorted_vals[:topk_num])
    pos_mask = mask > 0.0
    neg_mask = mask < 0.0
    return (pos_mask, neg_mask, weight_mask, fg_num, S_dps)

if __name__ == "__main__":
    import jax
    _d = setup_inputs()
    print(jax.jit(kernel)(*tuple(_d.values())))

</pallas_src>

<mosaic_0001>
#map = affine_map<(d0, d1) -> (0, 0)>
#map1 = affine_map<(d0, d1) -> (0)>
module attributes {stable_mosaic.version = 14 : i64} {
  func.func @_sc_rowmax_body(%arg0: i32, %arg1: i32, %arg2: memref<43648x16xf32, #tpu.memory_space<hbm>>, %arg3: memref<43648xf32, #tpu.memory_space<hbm>>, %arg4: memref<1368x16xf32, #tpu.memory_space<vmem>>, %arg5: memref<1368xf32, #tpu.memory_space<vmem>>) attributes {dimension_semantics = [#tpu.dimension_semantics<core_parallel>, #tpu.dimension_semantics<subcore_parallel>], iteration_bounds = array<i64: 2, 16>, scalar_prefetch = 0 : i64, scratch_operands = 2 : i64, tpu.core_type = #tpu.core_type<sc_vector_subcore>, window_params = [{transform_indices = #map}, {transform_indices = #map1}]} {
    %mul3A = arith.constant 2 : i32
    %mul3A_0 = arith.muli %arg1, %mul3A : i32
    %add3A = arith.addi %mul3A_0, %arg0 : i32
    %mul3A_1 = arith.constant 1368 : i32
    %mul3A_2 = arith.muli %add3A, %mul3A_1 : i32
    %eq3A = arith.constant 31 : i32
    %eq3A_3 = arith.cmpi eq, %add3A, %eq3A : i32
    %jit3A = arith.constant 1240 : i32
    %jit3A_4 = arith.constant 1368 : i32
    %select_n3A = arith.select %eq3A_3, %jit3A, %jit3A_4 : i32
    %not3A = arith.constant true
    %not3A_5 = arith.xori %eq3A_3, %not3A : i1
    %convert_element_type3A = arith.extui %not3A_5 : i1 to i32
    %cond3A = arith.constant 0 : i32
    %cond3A_6 = arith.cmpi ne, %convert_element_type3A, %cond3A : i32
    scf.if %cond3A_6 {
      "tpu.region"() ({
        %run_scoped3A = tpu.sem_alloc : memref<!tpu.dma_semaphore, #tpu.memory_space<semaphore_mem>>
        %dma_start3A = arith.constant 0 : i32
        %dma_start3A_24 = tpu.memref_slice %arg2[%mul3A_2, %dma_start3A] : memref<43648x16xf32, #tpu.memory_space<hbm>> -> memref<1368x16xf32, #tpu.memory_space<hbm>>
        %dma_start3A_25 = arith.constant 0 : i32
        %dma_start3A_26 = tpu.memref_slice %arg2[%mul3A_2, %dma_start3A_25] : memref<43648x16xf32, #tpu.memory_space<hbm>> -> memref<1368x16xf32, #tpu.memory_space<hbm>>
        tpu.enqueue_dma source(%dma_start3A_26 : memref<1368x16xf32, #tpu.memory_space<hbm>>) target(%arg4 : memref<1368x16xf32, #tpu.memory_space<vmem>>) target_semaphore(%run_scoped3A : memref<!tpu.dma_semaphore, #tpu.memory_space<semaphore_mem>>)
        %dma_wait3A = arith.constant 0 : i32
        %dma_wait3A_27 = tpu.memref_slice %arg2[%mul3A_2, %dma_wait3A] : memref<43648x16xf32, #tpu.memory_space<hbm>> -> memref<1368x16xf32, #tpu.memory_space<hbm>>
        %dma_wait3A_28 = arith.constant 0 : i32
        %dma_wait3A_29 = tpu.memref_slice %arg2[%mul3A_2, %dma_wait3A_28] : memref<43648x16xf32, #tpu.memory_space<hbm>> -> memref<1368x16xf32, #tpu.memory_space<hbm>>
        tpu.wait_dma2 semaphore(%run_scoped3A : memref<!tpu.dma_semaphore, #tpu.memory_space<semaphore_mem>>) src(%dma_wait3A_29 : memref<1368x16xf32, #tpu.memory_space<hbm>>) dst(%arg4 : memref<1368x16xf32, #tpu.memory_space<vmem>>)
        tpu.yield
      }) : () -> ()
    } else {
    }
    %convert_element_type3A_7 = arith.extui %eq3A_3 : i1 to i32
    %cond3A_8 = arith.constant 0 : i32
    %cond3A_9 = arith.cmpi ne, %convert_element_type3A_7, %cond3A_8 : i32
    scf.if %cond3A_9 {
      "tpu.region"() ({
        %run_scoped3A = tpu.sem_alloc : memref<!tpu.dma_semaphore, #tpu.memory_space<semaphore_mem>>
        %dma_start3A = arith.constant 0 : i32
        %dma_start3A_24 = arith.constant 0 : i32
        %dma_start3A_25 = tpu.memref_slice %arg4[%dma_start3A, %dma_start3A_24] : memref<1368x16xf32, #tpu.memory_space<vmem>> -> memref<1240x16xf32, #tpu.memory_space<vmem>>
        %dma_start3A_26 = arith.constant 0 : i32
        %dma_start3A_27 = tpu.memref_slice %arg2[%mul3A_2, %dma_start3A_26] : memref<43648x16xf32, #tpu.memory_space<hbm>> -> memref<1240x16xf32, #tpu.memory_space<hbm>>
        %dma_start3A_28 = arith.constant 0 : i32
        %dma_start3A_29 = arith.constant 0 : i32
        %dma_start3A_30 = tpu.memref_slice %arg4[%dma_start3A_28, %dma_start3A_29] : memref<1368x16xf32, #tpu.memory_space<vmem>> -> memref<1240x16xf32, #tpu.memory_space<vmem>>
        %dma_start3A_31 = arith.constant 0 : i32
        %dma_start3A_32 = tpu.memref_slice %arg2[%mul3A_2, %dma_start3A_31] : memref<43648x16xf32, #tpu.memory_space<hbm>> -> memref<1240x16xf32, #tpu.memory_space<hbm>>
        tpu.enqueue_dma source(%dma_start3A_32 : memref<1240x16xf32, #tpu.memory_space<hbm>>) target(%dma_start3A_30 : memref<1240x16xf32, #tpu.memory_space<vmem>>) target_semaphore(%run_scoped3A : memref<!tpu.dma_semaphore, #tpu.memory_space<semaphore_mem>>)
        %dma_wait3A = arith.constant 0 : i32
        %dma_wait3A_33 = arith.constant 0 : i32
        %dma_wait3A_34 = tpu.memref_slice %arg4[%dma_wait3A, %dma_wait3A_33] : memref<1368x16xf32, #tpu.memory_space<vmem>> -> memref<1240x16xf32, #tpu.memory_space<vmem>>
        %dma_wait3A_35 = arith.constant 0 : i32
        %dma_wait3A_36 = tpu.memref_slice %arg2[%mul3A_2, %dma_wait3A_35] : memref<43648x16xf32, #tpu.memory_space<hbm>> -> memref<1240x16xf32, #tpu.memory_space<hbm>>
        %dma_wait3A_37 = arith.constant 0 : i32
        %dma_wait3A_38 = arith.constant 0 : i32
        %dma_wait3A_39 = tpu.memref_slice %arg4[%dma_wait3A_37, %dma_wait3A_38] : memref<1368x16xf32, #tpu.memory_space<vmem>> -> memref<1240x16xf32, #tpu.memory_space<vmem>>
        %dma_wait3A_40 = arith.constant 0 : i32
        %dma_wait3A_41 = tpu.memref_slice %arg2[%mul3A_2, %dma_wait3A_40] : memref<43648x16xf32, #tpu.memory_space<hbm>> -> memref<1240x16xf32, #tpu.memory_space<hbm>>
        tpu.wait_dma2 semaphore(%run_scoped3A : memref<!tpu.dma_semaphore, #tpu.memory_space<semaphore_mem>>) src(%dma_wait3A_41 : memref<1240x16xf32, #tpu.memory_space<hbm>>) dst(%dma_wait3A_39 : memref<1240x16xf32, #tpu.memory_space<vmem>>)
        tpu.yield
      }) : () -> ()
    } else {
    }
    %iota3A = tpu.iota {dimensions = array<i32: 0>} : vector<16xi32>
    %sub3A = arith.constant 1 : i32
    %sub3A_10 = arith.subi %select_n3A, %sub3A : i32
    %scan3A = arith.constant 0 : i32
    %scan3A_11 = arith.constant 0 : i32
    %scan3A_12 = arith.constant 86 : i32
    %scan3A_13 = arith.addi %scan3A_11, %scan3A_12 : i32
    %scan3A_14 = arith.constant 1 : i32
    scf.for %scan3A_24 = %scan3A_11 to %scan3A_13 step %scan3A_14  : i32 {
      %mul3A_25 = arith.constant 16 : i32
      %mul3A_26 = arith.muli %scan3A_24, %mul3A_25 : i32
      %add3A_27 = vector.broadcast %mul3A_26 : i32 to vector<16xi32>
      %add3A_28 = arith.addi %add3A_27, %iota3A : vector<16xi32>
      %min3A = vector.broadcast %sub3A_10 : i32 to vector<16xi32>
      %min3A_29 = arith.minsi %add3A_28, %min3A : vector<16xi32>
      %gather3A = tpu.vector_load_idx %arg4[%min3A_29, %iota3A] : memref<1368x16xf32, #tpu.memory_space<vmem>>[vector<16xi32>, vector<16xi32>], vector<16xf32>,
      %add3A_30 = arith.constant 1 : i32
      %add3A_31 = vector.broadcast %add3A_30 : i32 to vector<16xi32>
      %add3A_32 = arith.addi %iota3A, %add3A_31 : vector<16xi32>
      %rem3A = arith.constant 16 : i32
      %rem3A_33 = vector.broadcast %rem3A : i32 to vector<16xi32>
      %rem3A_34 = arith.remsi %add3A_32, %rem3A_33 : vector<16xi32>
      %gather3A_35 = tpu.vector_load_idx %arg4[%min3A_29, %rem3A_34] : memref<1368x16xf32, #tpu.memory_space<vmem>>[vector<16xi32>, vector<16xi32>], vector<16xf32>,
      %max3A = arith.maximumf %gather3A, %gather3A_35 : vector<16xf32>
      %add3A_36 = arith.constant 2 : i32
      %add3A_37 = vector.broadcast %add3A_36 : i32 to vector<16xi32>
      %add3A_38 = arith.addi %iota3A, %add3A_37 : vector<16xi32>
      %rem3A_39 = arith.constant 16 : i32
      %rem3A_40 = vector.broadcast %rem3A_39 : i32 to vector<16xi32>
      %rem3A_41 = arith.remsi %add3A_38, %rem3A_40 : vector<16xi32>
      %gather3A_42 = tpu.vector_load_idx %arg4[%min3A_29, %rem3A_41] : memref<1368x16xf32, #tpu.memory_space<vmem>>[vector<16xi32>, vector<16xi32>], vector<16xf32>,
      %max3A_43 = arith.maximumf %max3A, %gather3A_42 : vector<16xf32>
      %add3A_44 = arith.constant 3 : i32
      %add3A_45 = vector.broadcast %add3A_44 : i32 to vector<16xi32>
      %add3A_46 = arith.addi %iota3A, %add3A_45 : vector<16xi32>
      %rem3A_47 = arith.constant 16 : i32
      %rem3A_48 = vector.broadcast %rem3A_47 : i32 to vector<16xi32>
      %rem3A_49 = arith.remsi %add3A_46, %rem3A_48 : vector<16xi32>
      %gather3A_50 = tpu.vector_load_idx %arg4[%min3A_29, %rem3A_49] : memref<1368x16xf32, #tpu.memory_space<vmem>>[vector<16xi32>, vector<16xi32>], vector<16xf32>,
      %max3A_51 = arith.maximumf %max3A_43, %gather3A_50 : vector<16xf32>
      %add3A_52 = arith.constant 4 : i32
      %add3A_53 = vector.broadcast %add3A_52 : i32 to vector<16xi32>
      %add3A_54 = arith.addi %iota3A, %add3A_53 : vector<16xi32>
      %rem3A_55 = arith.constant 16 : i32
      %rem3A_56 = vector.broadcast %rem3A_55 : i32 to vector<16xi32>
      %rem3A_57 = arith.remsi %add3A_54, %rem3A_56 : vector<16xi32>
      %gather3A_58 = tpu.vector_load_idx %arg4[%min3A_29, %rem3A_57] : memref<1368x16xf32, #tpu.memory_space<vmem>>[vector<16xi32>, vector<16xi32>], vector<16xf32>,
      %max3A_59 = arith.maximumf %max3A_51, %gather3A_58 : vector<16xf32>
      %add3A_60 = arith.constant 5 : i32
      %add3A_61 = vector.broadcast %add3A_60 : i32 to vector<16xi32>
      %add3A_62 = arith.addi %iota3A, %add3A_61 : vector<16xi32>
      %rem3A_63 = arith.constant 16 : i32
      %rem3A_64 = vector.broadcast %rem3A_63 : i32 to vector<16xi32>
      %rem3A_65 = arith.remsi %add3A_62, %rem3A_64 : vector<16xi32>
      %gather3A_66 = tpu.vector_load_idx %arg4[%min3A_29, %rem3A_65] : memref<1368x16xf32, #tpu.memory_space<vmem>>[vector<16xi32>, vector<16xi32>], vector<16xf32>,
      %max3A_67 = arith.maximumf %max3A_59, %gather3A_66 : vector<16xf32>
      %add3A_68 = arith.constant 6 : i32
      %add3A_69 = vector.broadcast %add3A_68 : i32 to vector<16xi32>
      %add3A_70 = arith.addi %iota3A, %add3A_69 : vector<16xi32>
      %rem3A_71 = arith.constant 16 : i32
      %rem3A_72 = vector.broadcast %rem3A_71 : i32 to vector<16xi32>
      %rem3A_73 = arith.remsi %add3A_70, %rem3A_72 : vector<16xi32>
      %gather3A_74 = tpu.vector_load_idx %arg4[%min3A_29, %rem3A_73] : memref<1368x16xf32, #tpu.memory_space<vmem>>[vector<16xi32>, vector<16xi32>], vector<16xf32>,
      %max3A_75 = arith.maximumf %max3A_67, %gather3A_74 : vector<16xf32>
      %add3A_76 = arith.constant 7 : i32
      %add3A_77 = vector.broadcast %add3A_76 : i32 to vector<16xi32>
      %add3A_78 = arith.addi %iota3A, %add3A_77 : vector<16xi32>
      %rem3A_79 = arith.constant 16 : i32
      %rem3A_80 = vector.broadcast %rem3A_79 : i32 to vector<16xi32>
      %rem3A_81 = arith.remsi %add3A_78, %rem3A_80 : vector<16xi32>
      %gather3A_82 = tpu.vector_load_idx %arg4[%min3A_29, %rem3A_81] : memref<1368x16xf32, #tpu.memory_space<vmem>>[vector<16xi32>, vector<16xi32>], vector<16xf32>,
      %max3A_83 = arith.maximumf %max3A_75, %gather3A_82 : vector<16xf32>
      %add3A_84 = arith.constant 8 : i32
      %add3A_85 = vector.broadcast %add3A_84 : i32 to vector<16xi32>
      %add3A_86 = arith.addi %iota3A, %add3A_85 : vector<16xi32>
      %rem3A_87 = arith.constant 16 : i32
      %rem3A_88 = vector.broadcast %rem3A_87 : i32 to vector<16xi32>
      %rem3A_89 = arith.remsi %add3A_86, %rem3A_88 : vector<16xi32>
      %gather3A_90 = tpu.vector_load_idx %arg4[%min3A_29, %rem3A_89] : memref<1368x16xf32, #tpu.memory_space<vmem>>[vector<16xi32>, vector<16xi32>], vector<16xf32>,
      %max3A_91 = arith.maximumf %max3A_83, %gather3A_90 : vector<16xf32>
      %add3A_92 = arith.constant 9 : i32
      %add3A_93 = vector.broadcast %add3A_92 : i32 to vector<16xi32>
      %add3A_94 = arith.addi %iota3A, %add3A_93 : vector<16xi32>
      %rem3A_95 = arith.constant 16 : i32
      %rem3A_96 = vector.broadcast %rem3A_95 : i32 to vector<16xi32>
      %rem3A_97 = arith.remsi %add3A_94, %rem3A_96 : vector<16xi32>
      %gather3A_98 = tpu.vector_load_idx %arg4[%min3A_29, %rem3A_97] : memref<1368x16xf32, #tpu.memory_space<vmem>>[vector<16xi32>, vector<16xi32>], vector<16xf32>,
      %max3A_99 = arith.maximumf %max3A_91, %gather3A_98 : vector<16xf32>
      %add3A_100 = arith.constant 10 : i32
      %add3A_101 = vector.broadcast %add3A_100 : i32 to vector<16xi32>
      %add3A_102 = arith.addi %iota3A, %add3A_101 : vector<16xi32>
      %rem3A_103 = arith.constant 16 : i32
      %rem3A_104 = vector.broadcast %rem3A_103 : i32 to vector<16xi32>
      %rem3A_105 = arith.remsi %add3A_102, %rem3A_104 : vector<16xi32>
      %gather3A_106 = tpu.vector_load_idx %arg4[%min3A_29, %rem3A_105] : memref<1368x16xf32, #tpu.memory_space<vmem>>[vector<16xi32>, vector<16xi32>], vector<16xf32>,
      %max3A_107 = arith.maximumf %max3A_99, %gather3A_106 : vector<16xf32>
      %add3A_108 = arith.constant 11 : i32
      %add3A_109 = vector.broadcast %add3A_108 : i32 to vector<16xi32>
      %add3A_110 = arith.addi %iota3A, %add3A_109 : vector<16xi32>
      %rem3A_111 = arith.constant 16 : i32
      %rem3A_112 = vector.broadcast %rem3A_111 : i32 to vector<16xi32>
      %rem3A_113 = arith.remsi %add3A_110, %rem3A_112 : vector<16xi32>
      %gather3A_114 = tpu.vector_load_idx %arg4[%min3A_29, %rem3A_113] : memref<1368x16xf32, #tpu.memory_space<vmem>>[vector<16xi32>, vector<16xi32>], vector<16xf32>,
      %max3A_115 = arith.maximumf %max3A_107, %gather3A_114 : vector<16xf32>
      %add3A_116 = arith.constant 12 : i32
      %add3A_117 = vector.broadcast %add3A_116 : i32 to vector<16xi32>
      %add3A_118 = arith.addi %iota3A, %add3A_117 : vector<16xi32>
      %rem3A_119 = arith.constant 16 : i32
      %rem3A_120 = vector.broadcast %rem3A_119 : i32 to vector<16xi32>
      %rem3A_121 = arith.remsi %add3A_118, %rem3A_120 : vector<16xi32>
      %gather3A_122 = tpu.vector_load_idx %arg4[%min3A_29, %rem3A_121] : memref<1368x16xf32, #tpu.memory_space<vmem>>[vector<16xi32>, vector<16xi32>], vector<16xf32>,
      %max3A_123 = arith.maximumf %max3A_115, %gather3A_122 : vector<16xf32>
      %add3A_124 = arith.constant 13 : i32
      %add3A_125 = vector.broadcast %add3A_124 : i32 to vector<16xi32>
      %add3A_126 = arith.addi %iota3A, %add3A_125 : vector<16xi32>
      %rem3A_127 = arith.constant 16 : i32
      %rem3A_128 = vector.broadcast %rem3A_127 : i32 to vector<16xi32>
      %rem3A_129 = arith.remsi %add3A_126, %rem3A_128 : vector<16xi32>
      %gather3A_130 = tpu.vector_load_idx %arg4[%min3A_29, %rem3A_129] : memref<1368x16xf32, #tpu.memory_space<vmem>>[vector<16xi32>, vector<16xi32>], vector<16xf32>,
      %max3A_131 = arith.maximumf %max3A_123, %gather3A_130 : vector<16xf32>
      %add3A_132 = arith.constant 14 : i32
      %add3A_133 = vector.broadcast %add3A_132 : i32 to vector<16xi32>
      %add3A_134 = arith.addi %iota3A, %add3A_133 : vector<16xi32>
      %rem3A_135 = arith.constant 16 : i32
      %rem3A_136 = vector.broadcast %rem3A_135 : i32 to vector<16xi32>
      %rem3A_137 = arith.remsi %add3A_134, %rem3A_136 : vector<16xi32>
      %gather3A_138 = tpu.vector_load_idx %arg4[%min3A_29, %rem3A_137] : memref<1368x16xf32, #tpu.memory_space<vmem>>[vector<16xi32>, vector<16xi32>], vector<16xf32>,
      %max3A_139 = arith.maximumf %max3A_131, %gather3A_138 : vector<16xf32>
      %add3A_140 = arith.constant 15 : i32
      %add3A_141 = vector.broadcast %add3A_140 : i32 to vector<16xi32>
      %add3A_142 = arith.addi %iota3A, %add3A_141 : vector<16xi32>
      %rem3A_143 = arith.constant 16 : i32
      %rem3A_144 = vector.broadcast %rem3A_143 : i32 to vector<16xi32>
      %rem3A_145 = arith.remsi %add3A_142, %rem3A_144 : vector<16xi32>
      %gather3A_146 = tpu.vector_load_idx %arg4[%min3A_29, %rem3A_145] : memref<1368x16xf32, #tpu.memory_space<vmem>>[vector<16xi32>, vector<16xi32>], vector<16xf32>,
      %max3A_147 = arith.maximumf %max3A_139, %gather3A_146 : vector<16xf32>
      tpu.vector_store_idx %arg5[%min3A_29], %max3A_147 : memref<1368xf32, #tpu.memory_space<vmem>>[vector<16xi32>], vector<16xf32>,
    }
    %scan3A_15 = arith.constant 86 : i32
    %not3A_16 = arith.constant true
    %not3A_17 = arith.xori %eq3A_3, %not3A_16 : i1
    %convert_element_type3A_18 = arith.extui %not3A_17 : i1 to i32
    %cond3A_19 = arith.constant 0 : i32
    %cond3A_20 = arith.cmpi ne, %convert_element_type3A_18, %cond3A_19 : i32
    scf.if %cond3A_20 {
      "tpu.region"() ({
        %run_scoped3A = tpu.sem_alloc : memref<!tpu.dma_semaphore, #tpu.memory_space<semaphore_mem>>
        %dma_start3A = tpu.memref_slice %arg3[%mul3A_2] : memref<43648xf32, #tpu.memory_space<hbm>> -> memref<1368xf32, #tpu.memory_space<hbm>>
        %dma_start3A_24 = tpu.memref_slice %arg3[%mul3A_2] : memref<43648xf32, #tpu.memory_space<hbm>> -> memref<1368xf32, #tpu.memory_space<hbm>>
        tpu.enqueue_dma source(%arg5 : memref<1368xf32, #tpu.memory_space<vmem>>) target(%dma_start3A_24 : memref<1368xf32, #tpu.memory_space<hbm>>) target_semaphore(%run_scoped3A : memref<!tpu.dma_semaphore, #tpu.memory_space<semaphore_mem>>)
        %dma_wait3A = tpu.memref_slice %arg3[%mul3A_2] : memref<43648xf32, #tpu.memory_space<hbm>> -> memref<1368xf32, #tpu.memory_space<hbm>>
        %dma_wait3A_25 = tpu.memref_slice %arg3[%mul3A_2] : memref<43648xf32, #tpu.memory_space<hbm>> -> memref<1368xf32, #tpu.memory_space<hbm>>
        tpu.wait_dma2 semaphore(%run_scoped3A : memref<!tpu.dma_semaphore, #tpu.memory_space<semaphore_mem>>) src(%arg5 : memref<1368xf32, #tpu.memory_space<vmem>>) dst(%dma_wait3A_25 : memref<1368xf32, #tpu.memory_space<hbm>>)
        tpu.yield
      }) : () -> ()
    } else {
    }
    %convert_element_type3A_21 = arith.extui %eq3A_3 : i1 to i32
    %cond3A_22 = arith.constant 0 : i32
    %cond3A_23 = arith.cmpi ne, %convert_element_type3A_21, %cond3A_22 : i32
    scf.if %cond3A_23 {
      "tpu.region"() ({
        %run_scoped3A = tpu.sem_alloc : memref<!tpu.dma_semaphore, #tpu.memory_space<semaphore_mem>>
        %dma_start3A = arith.constant 0 : i32
        %dma_start3A_24 = tpu.memref_slice %arg5[%dma_start3A] : memref<1368xf32, #tpu.memory_space<vmem>> -> memref<1240xf32, #tpu.memory_space<vmem>>
        %dma_start3A_25 = tpu.memref_slice %arg3[%mul3A_2] : memref<43648xf32, #tpu.memory_space<hbm>> -> memref<1240xf32, #tpu.memory_space<hbm>>
        %dma_start3A_26 = tpu.memref_slice %arg3[%mul3A_2] : memref<43648xf32, #tpu.memory_space<hbm>> -> memref<1240xf32, #tpu.memory_space<hbm>>
        %dma_start3A_27 = arith.constant 0 : i32
        %dma_start3A_28 = tpu.memref_slice %arg5[%dma_start3A_27] : memref<1368xf32, #tpu.memory_space<vmem>> -> memref<1240xf32, #tpu.memory_space<vmem>>
        tpu.enqueue_dma source(%dma_start3A_28 : memref<1240xf32, #tpu.memory_space<vmem>>) target(%dma_start3A_26 : memref<1240xf32, #tpu.memory_space<hbm>>) target_semaphore(%run_scoped3A : memref<!tpu.dma_semaphore, #tpu.memory_space<semaphore_mem>>)
        %dma_wait3A = arith.constant 0 : i32
        %dma_wait3A_29 = tpu.memref_slice %arg5[%dma_wait3A] : memref<1368xf32, #tpu.memory_space<vmem>> -> memref<1240xf32, #tpu.memory_space<vmem>>
        %dma_wait3A_30 = tpu.memref_slice %arg3[%mul3A_2] : memref<43648xf32, #tpu.memory_space<hbm>> -> memref<1240xf32, #tpu.memory_space<hbm>>
        %dma_wait3A_31 = tpu.memref_slice %arg3[%mul3A_2] : memref<43648xf32, #tpu.memory_space<hbm>> -> memref<1240xf32, #tpu.memory_space<hbm>>
        %dma_wait3A_32 = arith.constant 0 : i32
        %dma_wait3A_33 = tpu.memref_slice %arg5[%dma_wait3A_32] : memref<1368xf32, #tpu.memory_space<vmem>> -> memref<1240xf32, #tpu.memory_space<vmem>>
        tpu.wait_dma2 semaphore(%run_scoped3A : memref<!tpu.dma_semaphore, #tpu.memory_space<semaphore_mem>>) src(%dma_wait3A_33 : memref<1240xf32, #tpu.memory_space<vmem>>) dst(%dma_wait3A_31 : memref<1240xf32, #tpu.memory_space<hbm>>)
        tpu.yield
      }) : () -> ()
    } else {
    }
    return
  }
}

module attributes {stable_mosaic.version = 14 : i64} {
  func.func @_tc_body(%arg0: memref<341x128xf32, #tpu.memory_space<vmem>>, %arg1: memref<341x128xf32, #tpu.memory_space<vmem>>, %arg2: memref<341x128xi32, #tpu.memory_space<vmem>>, %arg3: memref<341x128xi32, #tpu.memory_space<vmem>>, %arg4: memref<341x128xf32, #tpu.memory_space<vmem>>, %arg5: memref<1x1xf32, #tpu.memory_space<smem>>, %arg6: memref<1x1xf32, #tpu.memory_space<smem>>) attributes {dimension_semantics = [], scalar_prefetch = 0 : i64, scratch_operands = 0 : i64, tpu.core_type = #tpu.core_type<tc>} {
    %get3A = arith.constant 0 : index
    %get3A_0 = arith.constant 0 : index
    %get3A_1 = vector.load %arg0[%get3A, %get3A_0] : memref<341x128xf32, #tpu.memory_space<vmem>>, vector<341x128xf32>
    %logistic3A = arith.negf %get3A_1 : vector<341x128xf32>
    %logistic3A_2 = math.exp %logistic3A : vector<341x128xf32>
    %logistic3A_3 = arith.constant 1.000000e+00 : f32
    %logistic3A_4 = vector.broadcast %logistic3A_3 : f32 to vector<341x128xf32>
    %logistic3A_5 = arith.addf %logistic3A_4, %logistic3A_2 : vector<341x128xf32>
    %logistic3A_6 = arith.divf %logistic3A_4, %logistic3A_5 : vector<341x128xf32>
    %get3A_7 = arith.constant 0 : index
    %get3A_8 = arith.constant 0 : index
    %get3A_9 = vector.load %arg1[%get3A_7, %get3A_8] : memref<341x128xf32, #tpu.memory_space<vmem>>, vector<341x128xf32>
    %logistic3A_10 = arith.negf %get3A_9 : vector<341x128xf32>
    %logistic3A_11 = math.exp %logistic3A_10 : vector<341x128xf32>
    %logistic3A_12 = arith.constant 1.000000e+00 : f32
    %logistic3A_13 = vector.broadcast %logistic3A_12 : f32 to vector<341x128xf32>
    %logistic3A_14 = arith.addf %logistic3A_13, %logistic3A_11 : vector<341x128xf32>
    %logistic3A_15 = arith.divf %logistic3A_13, %logistic3A_14 : vector<341x128xf32>
    %mul3A = arith.mulf %logistic3A_15, %logistic3A_6 : vector<341x128xf32>
    %swap3A = arith.constant 0 : index
    %swap3A_16 = arith.constant 0 : index
    %swap3A_17 = vector.load %arg4[%swap3A, %swap3A_16] : memref<341x128xf32, #tpu.memory_space<vmem>>, vector<341x128xf32>
    tpu.vector_store %arg4[%swap3A, %swap3A_16], %mul3A {strides = array<i32>} : memref<341x128xf32, #tpu.memory_space<vmem>>, vector<341x128xf32>,
    %reduce_sum3A = vector.shape_cast %logistic3A_6 : vector<341x128xf32> to vector<1x341x128xf32>
    %reduce_sum3A_18 = arith.constant dense<0.000000e+00> : vector<1xf32>
    %reduce_sum3A_19 = vector.multi_reduction <add>, %reduce_sum3A, %reduce_sum3A_18 [1, 2] : vector<1x341x128xf32> to vector<1xf32>
    %reduce_sum3A_20 = vector.shape_cast %reduce_sum3A_19 : vector<1xf32> to vector<1x1x1xf32>
    %reduce_sum3A_21 = vector.extract %reduce_sum3A_20[0, 0, 0] : f32 from vector<1x1x1xf32>
    %mul3A_22 = arith.constant 2.29105572E-5 : f32
    %mul3A_23 = arith.mulf %reduce_sum3A_21, %mul3A_22 : f32
    %swap3A_24 = arith.constant 0 : index
    %swap3A_25 = arith.constant 0 : index
    %swap3A_26 = memref.load %arg6[%swap3A_24, %swap3A_25] : memref<1x1xf32, #tpu.memory_space<smem>>
    memref.store %mul3A_23, %arg6[%swap3A_24, %swap3A_25] : memref<1x1xf32, #tpu.memory_space<smem>>
    %bitcast_convert_type3A = tpu.bitcast %logistic3A_6 : vector<341x128xf32> -> vector<341x128xi32>
    %sub3A = arith.constant 1065353216 : i32
    %sub3A_27 = vector.broadcast %sub3A : i32 to vector<341x128xi32>
    %sub3A_28 = arith.subi %sub3A_27, %bitcast_convert_type3A : vector<341x128xi32>
    %iota3A = tpu.iota {dimensions = array<i32: 0>} : vector<341x128xi32>
    %iota3A_29 = tpu.iota {dimensions = array<i32: 1>} : vector<341x128xi32>
    %mul3A_30 = arith.constant 128 : i32
    %mul3A_31 = vector.broadcast %mul3A_30 : i32 to vector<341x128xi32>
    %mul3A_32 = arith.muli %iota3A, %mul3A_31 : vector<341x128xi32>
    %add3A = arith.addi %mul3A_32, %iota3A_29 : vector<341x128xi32>
    %sub3A_33 = arith.constant 43647 : i32
    %sub3A_34 = vector.broadcast %sub3A_33 : i32 to vector<341x128xi32>
    %sub3A_35 = arith.subi %sub3A_34, %add3A : vector<341x128xi32>
    %scan3A = arith.constant 1 : i32
    %scan3A_36 = arith.constant 0 : i32
    %scan3A_37 = arith.constant 65536 : i32
    %scan3A_38 = arith.constant 0 : i32
    %scan3A_39 = arith.constant 0 : i32
    %scan3A_40 = arith.constant 0 : i32
    %scan3A_41 = arith.constant 30 : i32
    %scan3A_42 = arith.addi %scan3A_40, %scan3A_41 : i32
    %scan3A_43 = arith.constant 1 : i32
    %scan3A_44:2 = scf.for %scan3A_130 = %scan3A_40 to %scan3A_42 step %scan3A_43 iter_args(%scan3A_131 = %scan3A_38, %scan3A_132 = %scan3A_39) -> (i32, i32)  : i32 {
      %sub3A_133 = arith.constant 29 : i32
      %sub3A_134 = arith.subi %sub3A_133, %scan3A_130 : i32
      %shift_left3A = arith.shli %scan3A, %sub3A_134 : i32
      %or3A_135 = arith.ori %scan3A_131, %shift_left3A : i32
      %or3A_136 = arith.ori %scan3A_132, %shift_left3A : i32
      %ge3A_137 = vector.broadcast %or3A_135 : i32 to vector<341x128xi32>
      %ge3A_138 = arith.cmpi sge, %bitcast_convert_type3A, %ge3A_137 : vector<341x128xi32>
      %ge3A_139 = vector.broadcast %or3A_136 : i32 to vector<341x128xi32>
      %ge3A_140 = arith.cmpi sge, %sub3A_28, %ge3A_139 : vector<341x128xi32>
      %broadcast_in_dim3A_141 = vector.broadcast %scan3A : i32 to vector<341x128xi32>
      %broadcast_in_dim3A_142 = vector.broadcast %scan3A_36 : i32 to vector<341x128xi32>
      %select_n3A_143 = arith.select %ge3A_138, %broadcast_in_dim3A_141, %broadcast_in_dim3A_142 : vector<341x128xi1>, vector<341x128xi32>
      %broadcast_in_dim3A_144 = vector.broadcast %scan3A_37 : i32 to vector<341x128xi32>
      %broadcast_in_dim3A_145 = vector.broadcast %scan3A_36 : i32 to vector<341x128xi32>
      %select_n3A_146 = arith.select %ge3A_140, %broadcast_in_dim3A_144, %broadcast_in_dim3A_145 : vector<341x128xi1>, vector<341x128xi32>
      %add3A_147 = arith.addi %select_n3A_143, %select_n3A_146 : vector<341x128xi32>
      %reduce_sum3A_148 = vector.shape_cast %add3A_147 : vector<341x128xi32> to vector<1x341x128xi32>
      %reduce_sum3A_149 = arith.constant dense<0> : vector<1xi32>
      %reduce_sum3A_150 = vector.multi_reduction <add>, %reduce_sum3A_148, %reduce_sum3A_149 [1, 2] : vector<1x341x128xi32> to vector<1xi32>
      %reduce_sum3A_151 = vector.shape_cast %reduce_sum3A_150 : vector<1xi32> to vector<1x1x1xi32>
      %reduce_sum3A_152 = vector.extract %reduce_sum3A_151[0, 0, 0] : i32 from vector<1x1x1xi32>
      %and3A_153 = arith.constant 65535 : i32
      %and3A_154 = arith.andi %reduce_sum3A_152, %and3A_153 : i32
      %shift_right_logical3A_155 = arith.constant 16 : i32
      %shift_right_logical3A_156 = arith.shrui %reduce_sum3A_152, %shift_right_logical3A_155 : i32
      %ge3A_157 = arith.constant 436 : i32
      %ge3A_158 = arith.cmpi sge, %and3A_154, %ge3A_157 : i32
      %select_n3A_159 = arith.select %ge3A_158, %or3A_135, %scan3A_131 : i32
      %ge3A_160 = arith.constant 436 : i32
      %ge3A_161 = arith.cmpi sge, %shift_right_logical3A_156, %ge3A_160 : i32
      %select_n3A_162 = arith.select %ge3A_161, %or3A_136, %scan3A_132 : i32
      scf.yield %select_n3A_159, %select_n3A_162 : i32, i32
    }
    %scan3A_45 = arith.constant 30 : i32
    %eq3A = vector.broadcast %scan3A_44#0 : i32 to vector<341x128xi32>
    %eq3A_46 = arith.cmpi eq, %bitcast_convert_type3A, %eq3A : vector<341x128xi32>
    %eq3A_47 = vector.broadcast %scan3A_44#1 : i32 to vector<341x128xi32>
    %eq3A_48 = arith.cmpi eq, %sub3A_28, %eq3A_47 : vector<341x128xi32>
    %gt3A = vector.broadcast %scan3A_44#0 : i32 to vector<341x128xi32>
    %gt3A_49 = arith.cmpi sgt, %bitcast_convert_type3A, %gt3A : vector<341x128xi32>
    %gt3A_50 = vector.broadcast %scan3A_44#1 : i32 to vector<341x128xi32>
    %gt3A_51 = arith.cmpi sgt, %sub3A_28, %gt3A_50 : vector<341x128xi32>
    %jit3A = arith.constant 1 : i32
    %jit3A_52 = arith.constant 0 : i32
    %broadcast_in_dim3A = vector.broadcast %jit3A : i32 to vector<341x128xi32>
    %broadcast_in_dim3A_53 = vector.broadcast %jit3A_52 : i32 to vector<341x128xi32>
    %select_n3A = arith.select %gt3A_49, %broadcast_in_dim3A, %broadcast_in_dim3A_53 : vector<341x128xi1>, vector<341x128xi32>
    %jit3A_54 = arith.constant 65536 : i32
    %jit3A_55 = arith.constant 0 : i32
    %broadcast_in_dim3A_56 = vector.broadcast %jit3A_54 : i32 to vector<341x128xi32>
    %broadcast_in_dim3A_57 = vector.broadcast %jit3A_55 : i32 to vector<341x128xi32>
    %select_n3A_58 = arith.select %gt3A_51, %broadcast_in_dim3A_56, %broadcast_in_dim3A_57 : vector<341x128xi1>, vector<341x128xi32>
    %add3A_59 = arith.addi %select_n3A, %select_n3A_58 : vector<341x128xi32>
    %reduce_sum3A_60 = vector.shape_cast %add3A_59 : vector<341x128xi32> to vector<1x341x128xi32>
    %reduce_sum3A_61 = arith.constant dense<0> : vector<1xi32>
    %reduce_sum3A_62 = vector.multi_reduction <add>, %reduce_sum3A_60, %reduce_sum3A_61 [1, 2] : vector<1x341x128xi32> to vector<1xi32>
    %reduce_sum3A_63 = vector.shape_cast %reduce_sum3A_62 : vector<1xi32> to vector<1x1x1xi32>
    %reduce_sum3A_64 = vector.extract %reduce_sum3A_63[0, 0, 0] : i32 from vector<1x1x1xi32>
    %and3A = arith.constant 65535 : i32
    %and3A_65 = arith.andi %reduce_sum3A_64, %and3A : i32
    %shift_right_logical3A = arith.constant 16 : i32
    %shift_right_logical3A_66 = arith.shrui %reduce_sum3A_64, %shift_right_logical3A : i32
    %jit3A_67 = arith.constant 1 : i32
    %jit3A_68 = arith.constant 0 : i32
    %broadcast_in_dim3A_69 = vector.broadcast %jit3A_67 : i32 to vector<341x128xi32>
    %broadcast_in_dim3A_70 = vector.broadcast %jit3A_68 : i32 to vector<341x128xi32>
    %select_n3A_71 = arith.select %eq3A_46, %broadcast_in_dim3A_69, %broadcast_in_dim3A_70 : vector<341x128xi1>, vector<341x128xi32>
    %jit3A_72 = arith.constant 65536 : i32
    %jit3A_73 = arith.constant 0 : i32
    %broadcast_in_dim3A_74 = vector.broadcast %jit3A_72 : i32 to vector<341x128xi32>
    %broadcast_in_dim3A_75 = vector.broadcast %jit3A_73 : i32 to vector<341x128xi32>
    %select_n3A_76 = arith.select %eq3A_48, %broadcast_in_dim3A_74, %broadcast_in_dim3A_75 : vector<341x128xi1>, vector<341x128xi32>
    %add3A_77 = arith.addi %select_n3A_71, %select_n3A_76 : vector<341x128xi32>
    %reduce_sum3A_78 = vector.shape_cast %add3A_77 : vector<341x128xi32> to vector<1x341x128xi32>
    %reduce_sum3A_79 = arith.constant dense<0> : vector<1xi32>
    %reduce_sum3A_80 = vector.multi_reduction <add>, %reduce_sum3A_78, %reduce_sum3A_79 [1, 2] : vector<1x341x128xi32> to vector<1xi32>
    %reduce_sum3A_81 = vector.shape_cast %reduce_sum3A_80 : vector<1xi32> to vector<1x1x1xi32>
    %reduce_sum3A_82 = vector.extract %reduce_sum3A_81[0, 0, 0] : i32 from vector<1x1x1xi32>
    %and3A_83 = arith.constant 65535 : i32
    %and3A_84 = arith.andi %reduce_sum3A_82, %and3A_83 : i32
    %shift_right_logical3A_85 = arith.constant 16 : i32
    %shift_right_logical3A_86 = arith.shrui %reduce_sum3A_82, %shift_right_logical3A_85 : i32
    %sub3A_87 = arith.constant 436 : i32
    %sub3A_88 = arith.subi %sub3A_87, %and3A_65 : i32
    %sub3A_89 = arith.constant 436 : i32
    %sub3A_90 = arith.subi %sub3A_89, %shift_right_logical3A_66 : i32
    %eq3A_91 = arith.cmpi eq, %and3A_84, %sub3A_88 : i32
    %eq3A_92 = arith.cmpi eq, %shift_right_logical3A_86, %sub3A_90 : i32
    %and3A_93 = arith.andi %eq3A_91, %eq3A_92 : i1
    %convert_element_type3A = arith.extui %and3A_93 : i1 to i32
    %cond3A = arith.constant 0 : i32
    %cond3A_94 = arith.constant 1 : i32
    %cond3A_95 = arith.constant 65536 : i32
    %cond3A_96 = arith.constant 0 : i32
    %cond3A_97 = arith.cmpi ne, %convert_element_type3A, %cond3A_96 : i32
    %cond3A_98:2 = scf.if %cond3A_97 -> (i32, i32) {
      scf.yield %cond3A, %cond3A : i32, i32
    } else {
      %scan3A_130 = arith.constant 0 : i32
      %scan3A_131 = arith.constant 16 : i32
      %scan3A_132 = arith.addi %scan3A_130, %scan3A_131 : i32
      %scan3A_133 = arith.constant 1 : i32
      %scan3A_134:2 = scf.for %scan3A_136 = %scan3A_130 to %scan3A_132 step %scan3A_133 iter_args(%scan3A_137 = %cond3A, %scan3A_138 = %cond3A) -> (i32, i32)  : i32 {
        %sub3A_139 = arith.constant 15 : i32
        %sub3A_140 = arith.subi %sub3A_139, %scan3A_136 : i32
        %shift_left3A = arith.shli %cond3A_94, %sub3A_140 : i32
        %or3A_141 = arith.ori %scan3A_137, %shift_left3A : i32
        %or3A_142 = arith.ori %scan3A_138, %shift_left3A : i32
        %ge3A_143 = vector.broadcast %or3A_141 : i32 to vector<341x128xi32>
        %ge3A_144 = arith.cmpi sge, %sub3A_35, %ge3A_143 : vector<341x128xi32>
        %and3A_145 = arith.andi %eq3A_46, %ge3A_144 : vector<341x128xi1>
        %ge3A_146 = vector.broadcast %or3A_142 : i32 to vector<341x128xi32>
        %ge3A_147 = arith.cmpi sge, %sub3A_35, %ge3A_146 : vector<341x128xi32>
        %and3A_148 = arith.andi %eq3A_48, %ge3A_147 : vector<341x128xi1>
        %broadcast_in_dim3A_149 = vector.broadcast %cond3A_94 : i32 to vector<341x128xi32>
        %broadcast_in_dim3A_150 = vector.broadcast %cond3A : i32 to vector<341x128xi32>
        %select_n3A_151 = arith.select %and3A_145, %broadcast_in_dim3A_149, %broadcast_in_dim3A_150 : vector<341x128xi1>, vector<341x128xi32>
        %broadcast_in_dim3A_152 = vector.broadcast %cond3A_95 : i32 to vector<341x128xi32>
        %broadcast_in_dim3A_153 = vector.broadcast %cond3A : i32 to vector<341x128xi32>
        %select_n3A_154 = arith.select %and3A_148, %broadcast_in_dim3A_152, %broadcast_in_dim3A_153 : vector<341x128xi1>, vector<341x128xi32>
        %add3A_155 = arith.addi %select_n3A_151, %select_n3A_154 : vector<341x128xi32>
        %reduce_sum3A_156 = vector.shape_cast %add3A_155 : vector<341x128xi32> to vector<1x341x128xi32>
        %reduce_sum3A_157 = arith.constant dense<0> : vector<1xi32>
        %reduce_sum3A_158 = vector.multi_reduction <add>, %reduce_sum3A_156, %reduce_sum3A_157 [1, 2] : vector<1x341x128xi32> to vector<1xi32>
        %reduce_sum3A_159 = vector.shape_cast %reduce_sum3A_158 : vector<1xi32> to vector<1x1x1xi32>
        %reduce_sum3A_160 = vector.extract %reduce_sum3A_159[0, 0, 0] : i32 from vector<1x1x1xi32>
        %and3A_161 = arith.constant 65535 : i32
        %and3A_162 = arith.andi %reduce_sum3A_160, %and3A_161 : i32
        %shift_right_logical3A_163 = arith.constant 16 : i32
        %shift_right_logical3A_164 = arith.shrui %reduce_sum3A_160, %shift_right_logical3A_163 : i32
        %ge3A_165 = arith.cmpi sge, %and3A_162, %sub3A_88 : i32
        %select_n3A_166 = arith.select %ge3A_165, %or3A_141, %scan3A_137 : i32
        %ge3A_167 = arith.cmpi sge, %shift_right_logical3A_164, %sub3A_90 : i32
        %select_n3A_168 = arith.select %ge3A_167, %or3A_142, %scan3A_138 : i32
        scf.yield %select_n3A_166, %select_n3A_168 : i32, i32
      }
      %scan3A_135 = arith.constant 16 : i32
      scf.yield %scan3A_134#0, %scan3A_134#1 : i32, i32
    }
    %ge3A = vector.broadcast %cond3A_98#0 : i32 to vector<341x128xi32>
    %ge3A_99 = arith.cmpi sge, %sub3A_35, %ge3A : vector<341x128xi32>
    %and3A_100 = arith.andi %eq3A_46, %ge3A_99 : vector<341x128xi1>
    %or3A = arith.ori %gt3A_49, %and3A_100 : vector<341x128xi1>
    %ge3A_101 = vector.broadcast %cond3A_98#1 : i32 to vector<341x128xi32>
    %ge3A_102 = arith.cmpi sge, %sub3A_35, %ge3A_101 : vector<341x128xi32>
    %and3A_103 = arith.andi %eq3A_48, %ge3A_102 : vector<341x128xi1>
    %or3A_104 = arith.ori %gt3A_51, %and3A_103 : vector<341x128xi1>
    %jit3A_105 = arith.constant 0.000000e+00 : f32
    %broadcast_in_dim3A_106 = vector.broadcast %jit3A_105 : f32 to vector<341x128xf32>
    %select_n3A_107 = arith.select %or3A, %logistic3A_6, %broadcast_in_dim3A_106 : vector<341x128xi1>, vector<341x128xf32>
    %reduce_sum3A_108 = vector.shape_cast %select_n3A_107 : vector<341x128xf32> to vector<1x341x128xf32>
    %reduce_sum3A_109 = arith.constant dense<0.000000e+00> : vector<1xf32>
    %reduce_sum3A_110 = vector.multi_reduction <add>, %reduce_sum3A_108, %reduce_sum3A_109 [1, 2] : vector<1x341x128xf32> to vector<1xf32>
    %reduce_sum3A_111 = vector.shape_cast %reduce_sum3A_110 : vector<1xf32> to vector<1x1x1xf32>
    %reduce_sum3A_112 = vector.extract %reduce_sum3A_111[0, 0, 0] : f32 from vector<1x1x1xf32>
    %swap3A_113 = arith.constant 0 : index
    %swap3A_114 = arith.constant 0 : index
    %swap3A_115 = memref.load %arg5[%swap3A_113, %swap3A_114] : memref<1x1xf32, #tpu.memory_space<smem>>
    memref.store %reduce_sum3A_112, %arg5[%swap3A_113, %swap3A_114] : memref<1x1xf32, #tpu.memory_space<smem>>
    %not3A = arith.constant dense<true> : vector<341x128xi1>
    %not3A_116 = arith.xori %or3A_104, %not3A : vector<341x128xi1>
    %and3A_117 = arith.andi %or3A, %not3A_116 : vector<341x128xi1>
    %swap3A_118 = arith.constant 0 : index
    %swap3A_119 = arith.constant 0 : index
    %swap3A_120 = vector.load %arg2[%swap3A_118, %swap3A_119] : memref<341x128xi32, #tpu.memory_space<vmem>>, vector<341x128xi32>
    %swap3A_121 = arith.extui %and3A_117 : vector<341x128xi1> to vector<341x128xi32>
    %swap3A_122 = arith.constant dense<0> : vector<341x128xi32>
    %swap3A_123 = arith.cmpi ne, %swap3A_120, %swap3A_122 : vector<341x128xi32>
    tpu.vector_store %arg2[%swap3A_118, %swap3A_119], %swap3A_121 {strides = array<i32>} : memref<341x128xi32, #tpu.memory_space<vmem>>, vector<341x128xi32>,
    %swap3A_124 = arith.constant 0 : index
    %swap3A_125 = arith.constant 0 : index
    %swap3A_126 = vector.load %arg3[%swap3A_124, %swap3A_125] : memref<341x128xi32, #tpu.memory_space<vmem>>, vector<341x128xi32>
    %swap3A_127 = arith.extui %or3A_104 : vector<341x128xi1> to vector<341x128xi32>
    %swap3A_128 = arith.constant dense<0> : vector<341x128xi32>
    %swap3A_129 = arith.cmpi ne, %swap3A_126, %swap3A_128 : vector<341x128xi32>
    tpu.vector_store %arg3[%swap3A_124, %swap3A_125], %swap3A_127 {strides = array<i32>} : memref<341x128xi32, #tpu.memory_space<vmem>>, vector<341x128xi32>,
    return
  }
}

</mosaic_0001>

<sc_bundles>
// kernel: kernel.4.cloned.1.call-start
scs
__scs_entry_jumppad:
0x0: {  	(pc) =	sbr.rel $0x88, $3  }
0x1: {  	(tag) =	ssettag $0x0;
	lr =	simm.s32 $0x1  }
0x2: {  	[smem:$0x3F9F] =	sst lr;
	_ =	strace $0xD0000000  }
0x3: {  	_ = 	snop  }
0x4: {  	_ = 	snop  }
0x5: {  	_ = 	snop  }
0x6: {  	_ = 	snop  }
0x7: {  	_ = 	snop  }
__scs_overlays_trampoline_lowered:
0x8: {  	[smem:$0x3FAE] =	sst s0  }
0x9: {  	[smem:$0x3FAF] =	sst s1  }
0xa: {  	[smem:$0x3FB0] =	sst s2  }
0xb: {  	[smem:$0x3FB1] =	sst s3  }
0xc: {  	[smem:$0x3FB2] =	sst s4  }
0xd: {  	[smem:$0x3FB3] =	sst s5  }
0xe: {  	[smem:$0x3FB4] =	sst s6  }
0xf: {  	[smem:$0x3FB5] =	sst s7  }
0x10: {  	[smem:$0x3FB6] =	sst s8  }
0x11: {  	[smem:$0x3FB7] =	sst s9;
	s0 =	simm.s32 @!p0 $0x0  }
0x12: {  	s1 =	sld [smem:$0x3F9D];
	s0 =	simm.s32 @p0 $0x1  }
0x13: {  	[smem:$0x3FB8] =	sst s0;
	s0 =	simm.s32 @!p1 $0x0  }
0x14: {  	s2 =	sld [smem:$0x3F9C];
	s0 =	simm.s32 @p1 $0x1  }
0x15: {  	[smem:$0x3FB9] =	sst s0;
	s0 =	simm.s32 @!p2 $0x0  }
0x16: {  	s3 =	sld [smem:$0x3FDB];
	s0 =	simm.s32 @p2 $0x1  }
0x17: {  	s4 =	simm.s32 $0x1BF5;
	[smem:$0x3FBB] =	sst s0  }
0x18: {  	s0 =	sld [smem:$0x3F9E];
	_ =	swait.ge [sflag:s4], $0x0  }
0x19: {  	s7 =	sld [smem:$0x3F9F]  }
0x1a: {  	s8 =	sadd.s32 $0xFFFFE003, lr  }
0x1b: {  	s9 =	sadd.s32 $0xFFFFFEF7, lr;
	s5 =	simm.s32 $0xFFFFFFFF;
	p2 =	slt.u32 s8, $0xFFFFF086  }
0x1c: {  	p1 =	slt.u32 s9, $0xF7A;
	s5 =	simm.s32 @!p2 $0x0  }
0x1d: {  	s5 =	simm.s32 @p1 $0x1;
	p0 =	seq.s32 s7, s2  }
0x1e: {  	s7 =	smul.u32 @!p0 $0xF7A, s2;
	p2 =	seq.s32 @!p0 s5, $0x0  }
0x1f: {  	s9 =	smul.u32 $0xF7A, s1;
	s8 =	simm.s32 @!p0 $0x1BF5;
	p2 =	por !p2, p0  }
0x20: {  	[sflag:s8] =	ssyncset.s32 @!p0 $0xFFFFF086;
	s6 =	sadd.s32 @!p0 s3, s7;
	s7 =	simm.s32 @!p0 $0x108  }
0x21: {  	s3 =	sadd.s32 s3, s9;
	s6 =	sadd.s32 @!p0 $0x88, s6;
	s7 =	simm.s32 @p2 $0x1082  }
0x22: {  	[simem:s7], [sflag:s8] =	dma.local @!p0 [hbm:s6], $0xF7A  }
0x23: {  	s9 =	sor.u32 $0xD0000000, s2;
	s6 =	simm.s32 $0x108;
	_ =	swait.ge @!p0 [sflag:s8], $0x0  }
0x24: {  	s3 =	sadd.s32 $0x88, s3;
	s6 =	simm.s32 @!p1 $0x1082;
	[sflag:s4] =	ssyncset.s32 $0xFFFFF086  }
0x25: {  	[simem:s6], [sflag:s4] =	dma.local [hbm:s3], $0xF7A  }
0x26: {  	[smem:$0x3F9F] =	sst s1;
	(tag) =	ssettag s2;
	_ =	strace s9  }
0x27: {  	s1 =	sld [smem:$0x3FAF]  }
0x28: {  	s2 =	sld [smem:$0x3FB0]  }
0x29: {  	s4 =	sld [smem:$0x3FB2]  }
0x2a: {  	p0 =	seq.s32 s5, $0x0;
	s5 =	sld [smem:$0x3FB3]  }
0x2b: {  	s6 =	sld [smem:$0x3FB4]  }
0x2c: {  	s7 =	sld [smem:$0x3FB5]  }
0x2d: {  	s3 =	simm.s32 $0x108;
	s8 =	sld [smem:$0x3FB6]  }
0x2e: {  	s3 =	simm.s32 @!p0 $0x1082;
	s9 =	sld [smem:$0x3FB7]  }
0x2f: {  	lr =	sadd.s32 s0, s3;
	s0 =	sld [smem:$0x3FAE]  }
0x30: {  	s3 =	sld [smem:$0x3FB1]  }
0x31: {  	[smem:$0x3FBA] =	sst s10  }
0x32: {  	s10 =	sld [smem:$0x3FB8];
	_ =	sdelay $0x3  }
0x33: {  	p0 =	seq.s32 s10, $0x1;
	s10 =	sld [smem:$0x3FBA];
	_ =	sdelay $0x3  }
0x34: {  	[smem:$0x3FBA] =	sst s10  }
0x35: {  	s10 =	sld [smem:$0x3FB9];
	_ =	sdelay $0x3  }
0x36: {  	p1 =	seq.s32 s10, $0x1;
	s10 =	sld [smem:$0x3FBA];
	_ =	sdelay $0x3  }
0x37: {  	[smem:$0x3FBA] =	sst s10  }
0x38: {  	s10 =	sld [smem:$0x3FBB]  }
0x39: {  	_ = 	snop;
	(pc) =	sbr.ind lr, $3  }
0x3a: {  	_ = 	snop  }
0x3b: {  	_ = 	snop  }
0x3c: {  	p2 =	seq.s32 s10, $0x1;
	s10 =	sld [smem:$0x3FBA]  }
0x3d: {  	_ =	shalt  }
0x3e: {  	_ =	shalt  }
0x3f: {  	_ =	shalt  }
0x40: {  	_ =	shalt  }
0x41: {  	_ =	shalt  }
0x42: {  	_ =	shalt  }
0x43: {  	_ =	shalt  }
0x44: {  	_ =	shalt  }
0x45: {  	_ =	shalt  }
0x46: {  	_ =	shalt  }
0x47: {  	_ =	shalt  }
0x48: {  	_ =	shalt  }
0x49: {  	_ =	shalt  }
0x4a: {  	_ =	shalt  }
0x4b: {  	_ =	shalt  }
0x4c: {  	_ =	shalt  }
0x4d: {  	_ =	shalt  }
0x4e: {  	_ =	shalt  }
0x4f: {  	_ =	shalt  }
0x50: {  	_ =	shalt  }
0x51: {  	_ =	shalt  }
0x52: {  	_ =	shalt  }
0x53: {  	_ =	shalt  }
0x54: {  	_ =	shalt  }
0x55: {  	_ =	shalt  }
0x56: {  	_ =	shalt  }
0x57: {  	_ =	shalt  }
0x58: {  	_ =	shalt  }
0x59: {  	_ =	shalt  }
0x5a: {  	_ =	shalt  }
0x5b: {  	_ =	shalt  }
0x5c: {  	_ =	shalt  }
0x5d: {  	_ =	shalt  }
0x5e: {  	_ =	shalt  }
0x5f: {  	_ =	shalt  }
0x60: {  	_ =	shalt  }
0x61: {  	_ =	shalt  }
0x62: {  	_ =	shalt  }
0x63: {  	_ =	shalt  }
0x64: {  	_ =	shalt  }
0x65: {  	_ =	shalt  }
0x66: {  	_ =	shalt  }
0x67: {  	_ =	shalt  }
0x68: {  	_ =	shalt  }
0x69: {  	_ =	shalt  }
0x6a: {  	_ =	shalt  }
0x6b: {  	_ =	shalt  }
0x6c: {  	_ =	shalt  }
0x6d: {  	_ =	shalt  }
0x6e: {  	_ =	shalt  }
0x6f: {  	_ =	shalt  }
0x70: {  	_ =	shalt  }
0x71: {  	_ =	shalt  }
0x72: {  	_ =	shalt  }
0x73: {  	_ =	shalt  }
0x74: {  	_ =	shalt  }
0x75: {  	_ =	shalt  }
0x76: {  	_ =	shalt  }
0x77: {  	_ =	shalt  }
0x78: {  	_ =	shalt  }
0x79: {  	_ =	shalt  }
0x7a: {  	_ =	shalt  }
0x7b: {  	_ =	shalt  }
0x7c: {  	_ =	shalt  }
0x7d: {  	_ =	shalt  }
0x7e: {  	_ =	shalt  }
0x7f: {  	_ =	shalt  }
0x80: {  	_ =	shalt  }
0x81: {  	_ =	shalt  }
0x82: {  	_ =	shalt  }
0x83: {  	_ =	shalt  }
0x84: {  	_ =	shalt  }
0x85: {  	_ =	shalt  }
0x86: {  	_ =	shalt  }
0x87: {  	_ =	shalt  }
.Lfunc_end0:
.L_simem_size_0:
called_computation_lowered:
.L_overlay_start_0:
0x88: {  	s2 =	sld [smem:$0x3FD9]  }
0x89: {  	s3 =	sld [smem:$0x3FFE];
	_ =	sdelay $0x1  }
0x8a: {  	s1 =	srdreg.scid  }
0x8b: {  	s0 =	sand.u32 $0x1, s1  }
0x8c: {  	s14 =	sshll.u32 s0, $0xA;
	s2 =	sadd.s32 s3, s2  }
0x8d: {  	s2 =	sadd.s32 s2, s14  }
0x8e: {  	[smem:$0x3FC6] =	sst s2  }
0x8f: {  	_ = 	snop  }
0x90: {  	s2 =	sld [smem:$0x3FD0];
	_ =	sdelay $0x2  }
0x91: {  	s15 =	simm.s32 $0xA;
	s4 =	simm.s32 $0x10  }
0x92: {  	[smem:s4], [sflag:s15] =	dma.local [hbm:s2], $0x1  }
0x93: {  	_ =	swait.eq [sflag:s15], $0x1  }
0x94: {  	[sflag:s15] =	ssyncset.done $0x0  }
0x95: {  	[sflag:s15] =	ssyncadd.s32 $0xFFFFFFFF  }
0x96: {  	s16 =	sld [smem:$0x12];
	(tm) =	ssettm $0x1  }
0x97: {  	s17 =	sld [smem:$0x3FFB];
	_ =	sdelay $0x3  }
0x98: {  	_ =	strace s17  }
0x99: {  	s3 =	sld [smem:$0x3FFC];
	_ =	sdelay $0x3  }
0x9a: {  	_ =	strace s3  }
0x9b: {  	s3 =	sld [smem:$0x3FFD];
	_ =	sdelay $0x3  }
0x9c: {  	_ =	strace s3  }
0x9d: {  	_ =	strace $0x8FFFFFFF  }
0x9e: {  	s18 =	sld [smem:$0x3FDB];
	_ =	sdelay $0x1  }
0x9f: {  	s19 =	simm.s32 $_scs_section_size  }
0xa0: {  	s5 =	simm.s32 $_size__tile_overlayer_lowered;
	s6 =	simm.s32 $_tile_overlayer_lowered  }
0xa1: {  	s22 =	simm.s32 $0x1BFF;
	s21 =	sshll.u32 s6, $0x1;
	s3 =	sadd.s32 s19, s18  }
0xa2: {  	s7 =	simm.s32 $0x0;
	s20 =	sshll.u32 s5, $0x1;
	s5 =	sadd.s32 s21, s3  }
0xa3: {  	[timem:s7], [sflag:s22] =	dma.local [hbm:s5], s20  }
0xa4: {  	_ =	swait.ge [sflag:s22], s20  }
0xa5: {  	s4 =	ssub.s32 $0x0, s20;
	[sflag:s22] =	ssyncset.done $0x0  }
0xa6: {  	[sflag:s22] =	ssyncadd.s32 s4;
	_ =	sdelay $0x1  }
0xa7: {  	s23 =	simm.s32 $0x1B8B  }
0xa8: {  	_ =	swait.ge [sflag:s23], $0x1  }
0xa9: {  	[sflag:s23] =	ssyncset.done $0x0  }
0xaa: {  	s25 =	simm.s32 $0x1B8E;
	s24 =	sld [smem:$0x3FFE];
	[sflag:s23] =	ssyncadd.s32 $0xFFFFFFFF  }
0xab: {  	s26 =	simm.s32 $execute0_lowered;
	[smem:$0x3FD2] =	sst s25  }
0xac: {  	s5 =	sshll.u32 s26, $0x1;
	_ =	strace $0x80000046;
	[dreg:$0x1] =	wrdreg $0xFFFFFFFF  }
0xad: {  	s28 =	simm.s32 $_size_execute0_lowered;
	s3 =	sadd.s32 s3, s5;
	[dreg:$0x0] =	wrdreg $0x0  }
0xae: {  	s5 =	sshll.u32 s28, $0x1;
	[dreg:$0x2] =	wrdreg s3  }
0xaf: {  	[dreg:$0x3] =	wrdreg s5  }
0xb0: {  	[dreg:$0x4] =	wrdreg $0xC0  }
0xb1: {  	_ =	task [dreg:s7], $0x5FFFF  }
0xb2: {  	[dreg:$0x1] =	wrdreg $0xFFFFFFFF  }
0xb3: {  	[dreg:$0x0] =	wrdreg $0x60  }
0xb4: {  	[dreg:$0x2] =	wrdreg s24  }
0xb5: {  	[dreg:$0x3] =	wrdreg s16  }
0xb6: {  	[dreg:$0x4] =	wrdreg $0x9  }
0xb7: {  	_ =	task.clear_ibuf [dreg:s7], $0x5FFFF;
	_ =	strace $0x90000046  }
0xb8: {  	s29 =	simm.s32 $0x9;
	_ =	strace $0x80000048  }
0xb9: {  	_ =	swait.ge [sflag:s29], $0x1  }
0xba: {  	[sflag:s29] =	ssyncadd.s32 $0xFFFFFFFF  }
0xbb: {  	_ =	strace $0x90000048  }
0xbc: {  	_ =	sfence  }
0xbd: {  	s30 =	sld [smem:$0x0];
	_ =	sdelay $0x2  }
0xbe: {  	s31 =	sshll.u32 s1, $0xD;
	s1 =	sshrl.u32 s1, $0x2  }
0xbf: {  	s3 =	sand.u32 $0x4000, s31;
	s1 =	sadd.s32 s1, s30  }
0xc0: {  	s0 =	sor.u32 s3, s0;
	s1 =	sshll.u32 s1, $0x11  }
0xc1: {  	s0 =	sor.u32 s1, s0  }
0xc2: {  	s0 =	sadd.s32 $0x8F2B, s0  }
0xc3: {  	[sflag:s0] =	ssyncadd.remote.s32 $0x1  }
0xc4: {  	_ =	sfence.sel $0xFFFF  }
0xc5: {  	[dreg:$0x0] =	wrdreg $0xFFFFFFFF;
	(pc) =	sbr.abs _section_cstart, $3  }
0xc6: {  	[dreg:$0x1] =	wrdreg $0xFFFFFFFF  }
0xc7: {  	_ =	task.clear_ibuf [dreg:s7], $0x2FFFF;
	_ =	strace $0x9FFFFFFF  }
0xc8: {  	(tm) =	ssettm $0x7FFFFFFF  }
0xc9: {  	_ =	shalt  }
tec
execute0_lowered:
.L_overlay_start_1:
0x0: {  	(tag) =	ssettag $0x1  }
0x1: {  	v0 =	vimm.s32 $0xFEDCBA9  }
0x2: {  	v2 =	vimm.s32 $0x87654321;
	v3 =	vimm.s32 $0x98765432;
	v4 =	vimm.s32 $0x210FEDCB  }
0x3: {  	v5 =	vimm.s32 $0xA9876543;
	v15 =	vimm.s32 $0xCBA98765;
	v17 =	vimm.s32 $0x6543210F  }
0x4: {  	v18 =	vimm.s32 $0xEDCBA987;
	v19 =	vimm.s32 $0xFEDCBA98;
	v20 =	vimm.s32 $0x76543210  }
0x5: {  	v1 =	vunpack.c.l.s4.s8 v0;
	v0 =	vlaneseq.u32;
	v3 =	vunpack.c.l.s4.s8 v3  }
0x6: {  	v4 =	vunpack.c.l.s4.s8 v4;
	v17 =	vunpack.c.l.s4.s8 v17;
	v18 =	vunpack.c.l.s4.s8 v18  }
0x7: {  	v19 =	vunpack.c.l.s4.s8 v19;
	v7 =	vunpack.c.0.s8.s32 v1;
	v1 =	vunpack.c.l.s4.s8 v2  }
0x8: {  	v2 =	vimm.s32 $0x10FEDCBA;
	v10 =	vunpack.c.0.s8.s32 v3;
	v11 =	vunpack.c.0.s8.s32 v4  }
0x9: {  	v17 =	vunpack.c.0.s8.s32 v17;
	v18 =	vunpack.c.0.s8.s32 v18;
	v2 =	vunpack.c.l.s4.s8 v2  }
0xa: {  	v19 =	vunpack.c.0.s8.s32 v19;
	v8 =	vunpack.c.0.s8.s32 v1;
	v1 =	vunpack.c.l.s4.s8 v5  }
0xb: {  	v23 =	vcombine.low v18, v17;
	v9 =	vunpack.c.0.s8.s32 v2;
	v2 =	vimm.s32 $0x3210FEDC  }
0xc: {  	v19 =	vand.u32 $0xF, v19;
	v12 =	vunpack.c.0.s8.s32 v1;
	v1 =	vunpack.c.l.s4.s8 v2  }
0xd: {  	v2 =	vimm.s32 $0xBA987654;
	v3 =	vcombine.low v8, v7;
	v63 =	vcombine.low v7, v8  }
0xe: {  	v8 =	vand.u32 $0xF, v23;
	v4 =	vcombine.low v10, v9;
	v2 =	vunpack.c.l.s4.s8 v2  }
0xf: {  	v10 =	vcombine.low v9, v10;
	v5 =	vcombine.low v12, v11;
	v13 =	vunpack.c.0.s8.s32 v1  }
0x10: {  	v1 =	vimm.s32 $0x43210FED;
	v11 =	vcombine.low v11, v12;
	v14 =	vunpack.c.0.s8.s32 v2  }
0x11: {  	v6 =	vunpack.c.l.s4.s8 v1;
	v2 =	vand.u32 $0xF, v4;
	v4 =	vunpack.c.l.s4.s8 v15  }
0x12: {  	v9 =	vand.u32 $0xF, v63;
	v1 =	vand.u32 $0xF, v3;
	v10 =	vand.u32 $0xF, v10  }
0x13: {  	s4 =	rddreg [dreg:$0x0];
	s1 =	srdreg.scid;
	v3 =	vand.u32 $0xF, v5;
	v15 =	vunpack.c.0.s8.s32 v6;
	v16 =	vunpack.c.0.s8.s32 v4  }
0x14: {  	s0 =	stileid.u32;
	s6 =	rddreg [dreg:$0x1];
	s2 =	simm.s32 $0x0;
	v4 =	vimm.s32 $0x543210FE;
	v6 =	vimm.s32 $0xDCBA9876;
	v12 =	vcombine.low v13, v14  }
0x15: {  	s3 =	sand.u32 $0x1, s1;
	s5 =	sshll.u32 s0, $0x1;
	s1 =	rddreg [dreg:$0x2];
	v11 =	vand.u32 $0xF, v11;
	v4 =	vunpack.c.l.s4.s8 v4;
	v6 =	vunpack.c.l.s4.s8 v6  }
0x16: {  	[smem:$0x7FF] =	sst s2;
	s8 =	sor.u32 s3, s5;
	v5 =	vcombine.low v14, v13;
	v13 =	vcombine.low v15, v16;
	v12 =	vand.u32 $0xF, v12  }
0x17: {  	_ =	strace $0x80000047;
	s3 =	ssub.s32 $0x2, s3;
	s5 =	smul.u32 $0xAB0, s8;
	v21 =	vunpack.c.0.s8.s32 v4;
	v22 =	vunpack.c.0.s8.s32 v6;
	v6 =	vunpack.c.l.s4.s8 v20  }
0x18: {  	s7 =	sshrl.u32 s3, $0x1;
	s9 =	smul.u32 $0xAB, s8;
	p0 =	seq.s32 s8, $0x1F;
	v4 =	vand.u32 $0xF, v5;
	v5 =	vcombine.low v16, v15;
	v15 =	vcombine.low v17, v18  }
0x19: {  	s8 =	simm.s32 $0x5580;
	s7 =	ssub.s32 s3, s7;
	s5 =	sadd.s32 s5, s4;
	v6 =	vunpack.c.0.s8.s32 v6;
	v62 =	vcombine.low v22, v21;
	v14 =	vcombine.low v21, v22  }
0x1a: {  	s4 =	sadd.s32 $0x15350, s4;
	s7 =	smax.u32 s7, $0x1;
	s3 =	sadd.s32 $0x800, s5;
	v13 =	vand.u32 $0xF, v13;
	v5 =	vand.u32 $0xF, v5;
	v15 =	vand.u32 $0xF, v15  }
0x1b: {  	s5 =	sadd.s32 s6, s9;
	s6 =	sadd.s32 $0x14B5, s6;
	s9 =	simm.s32 $0x0;
	v6 =	vcombine.low v19, v6;
	v7 =	vand.u32 $0xF, v62;
	v14 =	vand.u32 $0xF, v14  }
.LBB2_1:
0x1c: {  	s10 =	simm.s32 @p0 $0x0  }
0x1d: {  	[tilespmem:s10], [sflag:$0x1] =	stream.linear.gather @p0 [hbm4b:s4+s10], $0x4D80, $0x38;
	[tilespmem:$0x5AD8] =	vst v63  }
0x1e: {  	s10 =	simm.s32 @!p0 $0x557  }
0x1f: {  	s10 =	simm.s32 @p0 $0x4D7  }
0x20: {  	v16 =	vor.u32 s2, v0;
	v17 =	vmov s10;
	s10 =	simm.s32 @p0 $0x1  }
0x21: {  	_ =	swait.ge @p0 [sflag:s10], $0x4D80;
	vm0 =	vlt.s32 v16, v17  }
0x22: {  	[sflag:s10] =	ssyncset.done @p0 $0x0;
	v16 =	vsel vm0, v16, v17  }
0x23: {  	[sflag:s10] =	ssyncadd.s32 @p0 $0xFFFFB280;
	s10 =	simm.s32 @!p0 $0x0;
	v19 =	vshll.u32 v16, $0x4  }
0x24: {  	[tilespmem:s10], [sflag:$0x1] =	stream.linear.gather @!p0 [hbm4b:s3+s10], $0x5580, $0x38;
	v18 =	vor.u32 v1, v19;
	[tilespmem:$0x5AD8] =	vst v63  }
0x25: {  	s10 =	simm.s32 @!p0 $0x1;
	v20 =	vor.u32 v0, v19  }
0x26: {  	v21 =	vor.u32 v2, v19;
	_ =	swait.ge @!p0 [sflag:s10], $0x5580  }
0x27: {  	v22 =	vor.u32 v3, v19;
	[sflag:s10] =	ssyncset.done @!p0 $0x0  }
0x28: {  	v23 =	vor.u32 v4, v19;
	[sflag:s10] =	ssyncadd.s32 @!p0 $0xFFFFAA80  }
0x29: {  	v24 =	vor.u32 v5, v19;
	v18 =	vld.idx.msk [tilespmem:v18+s2+$0x0], $0xffff  }
0x2a: {  	v25 =	vor.u32 v7, v19;
	v20 =	vld.idx.msk [tilespmem:v20+s2+$0x0], $0xffff  }
0x2b: {  	v26 =	vor.u32 v8, v19;
	v21 =	vld.idx.msk [tilespmem:v21+s2+$0x0], $0xffff  }
0x2c: {  	v27 =	vor.u32 v6, v19;
	v22 =	vld.idx.msk [tilespmem:v22+s2+$0x0], $0xffff  }
0x2d: {  	v28 =	vor.u32 v9, v19;
	v23 =	vld.idx.msk [tilespmem:v23+s2+$0x0], $0xffff  }
0x2e: {  	v30 =	vor.u32 v11, v19;
	v24 =	vld.idx.msk [tilespmem:v24+s2+$0x0], $0xffff  }
0x2f: {  	v29 =	vor.u32 v10, v19;
	v25 =	vld.idx.msk [tilespmem:v25+s2+$0x0], $0xffff  }
0x30: {  	v26 =	vld.idx.msk [tilespmem:v26+s2+$0x0], $0xffff;
	v18 =	vmax.f32 v20, v18;
	v20 =	vor.u32 v12, v19  }
0x31: {  	v27 =	vld.idx.msk [tilespmem:v27+s2+$0x0], $0xffff;
	v18 =	vmax.f32 v18, v21;
	v21 =	vor.u32 v13, v19  }
0x32: {  	v28 =	vld.idx.msk [tilespmem:v28+s2+$0x0], $0xffff;
	v18 =	vmax.f32 v18, v22;
	v22 =	vor.u32 v14, v19  }
0x33: {  	v63 =	vor.u32 v15, v19;
	v19 =	vld.idx.msk [tilespmem:v30+s2+$0x0], $0xffff;
	v23 =	vmax.f32 v18, v23  }
0x34: {  	v18 =	vld.idx.msk [tilespmem:v29+s2+$0x0], $0xffff;
	v23 =	vmax.f32 v23, v24  }
0x35: {  	v23 =	vmax.f32 v23, v25;
	v20 =	vld.idx.msk [tilespmem:v20+s2+$0x0], $0xffff  }
0x36: {  	s31 =	simm.s32 $0x10;
	v23 =	vmax.f32 v23, v26;
	v21 =	vld.idx.msk [tilespmem:v21+s2+$0x0], $0xffff  }
0x37: {  	v24 =	vor.u32 s31, v0;
	v23 =	vmax.f32 v23, v27;
	v22 =	vld.idx.msk [tilespmem:v22+s2+$0x0], $0xffff  }
0x38: {  	s10 =	simm.s32 $0x20;
	vm0 =	vlt.s32 v24, v17;
	v25 =	vmax.f32 v23, v28;
	v23 =	vld.idx.msk [tilespmem:v63+s2+$0x0], $0xffff  }
.LBB2_2:
0x39: {  	p1 =	sne.s32 s10, $0x550;
	v24 =	vsel vm0, v24, v17;
	v18 =	vmax.f32 v25, v18  }
0x3a: {  	v25 =	vshll.u32 v24, $0x4;
	v18 =	vmax.f32 v18, v19  }
0x3b: {  	v19 =	vor.u32 v1, v25;
	v18 =	vmax.f32 v18, v20  }
0x3c: {  	v20 =	vor.u32 v0, v25;
	v18 =	vmax.f32 v18, v21  }
0x3d: {  	v21 =	vor.u32 v2, v25;
	v18 =	vmax.f32 v18, v22  }
0x3e: {  	v22 =	vor.u32 v3, v25;
	v18 =	vmax.f32 v18, v23  }
0x3f: {  	v23 =	vor.u32 v4, v25;
	[tilespmem:v16+s8+$0x0] =	vst.idx.msk $0xffff, v18;
	v16 =	vmov v24  }
0x40: {  	v18 =	vld.idx.msk [tilespmem:v19+s2+$0x0], $0xffff;
	v19 =	vor.u32 v5, v25  }
0x41: {  	v24 =	vor.u32 v7, v25;
	v20 =	vld.idx.msk [tilespmem:v20+s2+$0x0], $0xffff  }
0x42: {  	v26 =	vor.u32 v8, v25;
	v21 =	vld.idx.msk [tilespmem:v21+s2+$0x0], $0xffff  }
0x43: {  	v27 =	vor.u32 v6, v25;
	v22 =	vld.idx.msk [tilespmem:v22+s2+$0x0], $0xffff  }
0x44: {  	v28 =	vor.u32 v9, v25;
	v23 =	vld.idx.msk [tilespmem:v23+s2+$0x0], $0xffff  }
0x45: {  	v29 =	vor.u32 v10, v25;
	v19 =	vld.idx.msk [tilespmem:v19+s2+$0x0], $0xffff  }
0x46: {  	v30 =	vor.u32 v11, v25;
	v24 =	vld.idx.msk [tilespmem:v24+s2+$0x0], $0xffff  }
0x47: {  	v18 =	vmax.f32 v20, v18;
	v20 =	vor.u32 v12, v25;
	v26 =	vld.idx.msk [tilespmem:v26+s2+$0x0], $0xffff  }
0x48: {  	v18 =	vmax.f32 v18, v21;
	v21 =	vor.u32 v13, v25;
	v27 =	vld.idx.msk [tilespmem:v27+s2+$0x0], $0xffff  }
0x49: {  	v18 =	vmax.f32 v18, v22;
	v22 =	vor.u32 v14, v25;
	v28 =	vld.idx.msk [tilespmem:v28+s2+$0x0], $0xffff  }
0x4a: {  	v23 =	vmax.f32 v18, v23;
	v18 =	vld.idx.msk [tilespmem:v29+s2+$0x0], $0xffff;
	v29 =	vor.u32 v15, v25  }
.Ltmp0:
0x4b: {  	v23 =	vmax.f32 v23, v19;
	v19 =	vld.idx.msk [tilespmem:v30+s2+$0x0], $0xffff;
	(pc) =	sbr.rel @p1 .LBB2_2-.Ltmp0, $4  }
0x4c: {  	v23 =	vmax.f32 v23, v24;
	v20 =	vld.idx.msk [tilespmem:v20+s2+$0x0], $0xffff  }
0x4d: {  	v23 =	vmax.f32 v23, v26;
	v21 =	vld.idx.msk [tilespmem:v21+s2+$0x0], $0xffff  }
0x4e: {  	v24 =	vor.u32 s10, v0;
	v23 =	vmax.f32 v23, v27;
	v22 =	vld.idx.msk [tilespmem:v22+s2+$0x0], $0xffff  }
0x4f: {  	s10 =	sadd.s32 $0x10, s10;
	vm0 =	vlt.s32 v24, v17;
	v25 =	vmax.f32 v23, v28;
	v23 =	vld.idx.msk [tilespmem:v29+s2+$0x0], $0xffff  }
0x50: {  	v17 =	vsel vm0, v24, v17;
	v18 =	vmax.f32 v25, v18  }
0x51: {  	v24 =	vshll.u32 v17, $0x4;
	v18 =	vmax.f32 v18, v19  }
0x52: {  	v43 =	vor.u32 v1, v24;
	v18 =	vmax.f32 v18, v20  }
0x53: {  	v44 =	vor.u32 v0, v24;
	v18 =	vmax.f32 v18, v21  }
0x54: {  	v45 =	vor.u32 v2, v24;
	v18 =	vmax.f32 v18, v22  }
0x55: {  	v46 =	vor.u32 v3, v24;
	v18 =	vmax.f32 v18, v23  }
0x56: {  	v47 =	vor.u32 v4, v24;
	[tilespmem:v16+s8+$0x0] =	vst.idx.msk $0xffff, v18  }
0x57: {  	v48 =	vor.u32 v5, v24;
	v16 =	vld.idx.msk [tilespmem:v43+s2+$0x0], $0xffff  }
0x58: {  	v50 =	vor.u32 v7, v24;
	v49 =	vld.idx.msk [tilespmem:v44+s2+$0x0], $0xffff  }
0x59: {  	v51 =	vor.u32 v8, v24;
	v21 =	vld.idx.msk [tilespmem:v45+s2+$0x0], $0xffff  }
0x5a: {  	v26 =	vor.u32 v6, v24;
	v22 =	vld.idx.msk [tilespmem:v46+s2+$0x0], $0xffff  }
0x5b: {  	v27 =	vor.u32 v9, v24;
	v23 =	vld.idx.msk [tilespmem:v47+s2+$0x0], $0xffff  }
0x5c: {  	v28 =	vor.u32 v10, v24;
	v18 =	vld.idx.msk [tilespmem:v48+s2+$0x0], $0xffff  }
0x5d: {  	v29 =	vor.u32 v11, v24;
	v20 =	vld.idx.msk [tilespmem:v50+s2+$0x0], $0xffff;
	v16 =	vmax.f32 v49, v16  }
0x5e: {  	v53 =	vor.u32 v12, v24;
	v52 =	vld.idx.msk [tilespmem:v51+s2+$0x0], $0xffff;
	v16 =	vmax.f32 v16, v21  }
0x5f: {  	v55 =	vor.u32 v13, v24;
	v54 =	vld.idx.msk [tilespmem:v26+s2+$0x0], $0xffff;
	v16 =	vmax.f32 v16, v22  }
0x60: {  	v57 =	vor.u32 v14, v24;
	v56 =	vld.idx.msk [tilespmem:v27+s2+$0x0], $0xffff;
	v16 =	vmax.f32 v16, v23  }
0x61: {  	v24 =	vor.u32 v15, v24;
	v58 =	vld.idx.msk [tilespmem:v28+s2+$0x0], $0xffff;
	v16 =	vmax.f32 v16, v18  }
0x62: {  	v59 =	vld.idx.msk [tilespmem:v29+s2+$0x0], $0xffff;
	v16 =	vmax.f32 v16, v20  }
0x63: {  	v60 =	vld.idx.msk [tilespmem:v53+s2+$0x0], $0xffff;
	v16 =	vmax.f32 v16, v52  }
0x64: {  	v61 =	vld.idx.msk [tilespmem:v55+s2+$0x0], $0xffff;
	v16 =	vmax.f32 v16, v54  }
0x65: {  	v62 =	vld.idx.msk [tilespmem:v57+s2+$0x0], $0xffff;
	v16 =	vmax.f32 v16, v56  }
0x66: {  	v63 =	vld.idx.msk [tilespmem:v24+s2+$0x0], $0xffff;
	v16 =	vmax.f32 v16, v58  }
0x67: {  	v16 =	vmax.f32 v16, v59  }
0x68: {  	v16 =	vmax.f32 v16, v60  }
0x69: {  	v16 =	vmax.f32 v16, v61  }
0x6a: {  	v16 =	vmax.f32 v16, v62  }
0x6b: {  	v16 =	vmax.f32 v16, v63  }
0x6c: {  	s10 =	simm.s32 @p0 $0x0;
	s11 =	simm.s32 @p0 $0x5580;
	[tilespmem:v17+s8+$0x0] =	vst.idx.msk $0xffff, v16  }
0x6d: {  	[hbm4b:s6+s10] =	stream.linear.scatter @p0 [tilespmem:s11], [sflag:$0x1], $0x4D8, $0x38;
	[tilespmem:$0x5AD8] =	vst v63  }
0x6e: {  	s10 =	simm.s32 @p0 $0x1  }
0x6f: {  	s9 =	sadd.s32 $0x1, s9;
	_ =	swait.ge @p0 [sflag:s10], $0x4D8  }
0x70: {  	p1 =	sne.s32 s9, s7;
	[sflag:s10] =	ssyncset.done @p0 $0x0  }
0x71: {  	s11 =	simm.s32 @!p0 $0x5580;
	[sflag:s10] =	ssyncadd.s32 @p0 $0xFFFFFB28;
	s10 =	simm.s32 @!p0 $0x0  }
0x72: {  	[hbm4b:s5+s10] =	stream.linear.scatter @!p0 [tilespmem:s11], [sflag:$0x1], $0x558, $0x38;
	[tilespmem:$0x5AD8] =	vst v63  }
.Ltmp1:
0x73: {  	_ = 	snop;
	(pc) =	sbr.rel @p1 .LBB2_1-.Ltmp1, $4  }
0x74: {  	s10 =	simm.s32 @!p0 $0x1  }
0x75: {  	_ =	swait.ge @!p0 [sflag:s10], $0x558  }
0x76: {  	[sflag:s10] =	ssyncset.done @!p0 $0x0  }
0x77: {  	[sflag:s10] =	ssyncadd.s32 @!p0 $0xFFFFFAA8  }
0x78: {  	_ =	sfence.sel $0x180000  }
0x79: {  	[bflag:$0x0] =	sbarrier.arrive $0xFFFF  }
0x7a: {  	p0 =	sne.s32 s0, $0x0;
	_ =	strace $0x90000047  }
0x7b: {  	s0 =	sadd.s32 @!p0 $0x100000, s1;
	[bflag:$0x2] =	sbarrier.arrive $0xFFFF  }
0x7c: {  	[sflag:s0] =	ssyncadd.tile.s32 @!p0 $0x1;
	_ =	shalt  }
.Lfunc_end2:
_tile_overlayer_lowered:
.L_overlay_start_2:
0x7d: {  	(tag) =	ssettag $0x2  }
0x7e: {  	s0 =	rddreg [dreg:$0x0];
	s2 =	stileid.u32  }
0x7f: {  	s1 =	rddreg [dreg:$0x1];
	p0 =	sne.s32 s2, $0x0  }
0x80: {  	s3 =	rddreg [dreg:$0x2];
	[bflag:$0x3] =	sbarrier.arrive $0xFFFF;
	s2 =	simm.s32 @!p0 $0x1C01  }
0x81: {  	[timem:s3], [sflag:s2] =	dma.local @!p0 [hbm:s0], s1  }
0x82: {  	s0 =	simm.s32 @!p0 $0x1  }
0x83: {  	_ =	swait.ge @!p0 [sflag:s0], s1  }
0x84: {  	s1 =	ssub.s32 @!p0 $0x0, s1;
	[sflag:s0] =	ssyncset.done @!p0 $0x0  }
0x85: {  	[sflag:s0] =	ssyncadd.s32 @!p0 s1  }
0x86: {  	[bflag:$0x3] =	sbarrier.arrive $0xFFFF  }
0x87: {  	_ =	shalt  }

</sc_bundles>
